<compile_context>
chip_gen: v7x
topology: tpu7x:2x2x1
jax: 0.10.2.dev20260603
libtpu: 0.0.44.dev20260713+nightly
codegen_flags: <defaults>
</compile_context>

<pallas_src>
import jax
import jax.numpy as jnp
from jax import lax
from jax.experimental import pallas as pl
from jax.experimental.pallas import tpu as pltpu
from jax.experimental.pallas import tpu_sc as plsc

N_NODES = 10000
N_EDGES = 320000
D = 128

NC = 2
NS = 16
NW = NC * NS
K = 80
CH = 125
NP = 5
HCH = CH // NP
NBUF = 3
NPAD = 10240
DEGW = 8
RPW = NPAD // NS
BR = 2000

_mesh = lambda: plsc.VectorSubcoreMesh(core_axis_name="c", subcore_axis_name="s")


def _deg_body(dst_hbm, zeros_hbm, ones_hbm, deg_out, dst_v, ones_v, deg_sem,
              deg_sh):
    c = lax.axis_index("c")
    s = lax.axis_index("s")
    w = s * NC + c
    cp_idx = pltpu.async_copy(dst_hbm.at[w], dst_v, deg_sem)
    pltpu.sync_copy(ones_hbm, ones_v)
    pltpu.sync_copy(zeros_hbm.at[pl.ds(s * RPW, RPW)],
                    deg_sh.at[pl.ds(s * RPW, RPW)])
    cp_idx.wait()
    plsc.subcore_barrier()

    def issue(j, carry):
        p = j // HCH
        q = j % HCH
        pltpu.async_copy(ones_v, deg_sh.at[dst_v.at[p, q]], deg_sem, add=True)
        return carry

    lax.fori_loop(0, CH, issue, 0)

    def drain(j, carry):
        pltpu.make_async_copy(ones_v, deg_sh.at[dst_v.at[0, 0]],
                              deg_sem).wait()
        return carry

    lax.fori_loop(0, CH, drain, 0)
    plsc.subcore_barrier()
    pltpu.sync_copy(deg_sh.at[pl.ds(s * RPW, RPW)],
                    deg_out.at[c, pl.ds(s * RPW, RPW)])


@jax.jit
def _deg_kernel(dst4, zeros_deg, ones_k):
    return pl.kernel(
        _deg_body,
        out_type=jax.ShapeDtypeStruct((NC, NPAD, DEGW), jnp.float32),
        mesh=_mesh(),
        scratch_types=[
            pltpu.VMEM((NP, HCH, K), jnp.int32),
            pltpu.VMEM((K, DEGW), jnp.float32),
            pltpu.SemaphoreType.DMA,
            pltpu.VMEM_SHARED((NPAD, DEGW), jnp.float32),
        ],
    )(dst4, zeros_deg, ones_k)


def _scale_body(x_ref, dp_a_ref, dp_b_ref, y_ref, dis_ref):
    d = dp_a_ref[0] + dp_b_ref[0]
    r = lax.rsqrt(d)
    y_ref[...] = x_ref[...] * r[:, 0:1]
    dis_ref[...] = jnp.where(d > 0.0, r, 0.0)


@jax.jit
def _scale_kernel(x, deg_p):
    return pl.pallas_call(
        _scale_body,
        grid=(N_NODES // BR,),
        in_specs=[
            pl.BlockSpec((BR, D), lambda i: (i, 0)),
            pl.BlockSpec((1, BR, DEGW), lambda i: (0, i, 0)),
            pl.BlockSpec((1, BR, DEGW), lambda i: (1, i, 0)),
        ],
        out_specs=[
            pl.BlockSpec((BR, D), lambda i: (i, 0)),
            pl.BlockSpec((BR, DEGW), lambda i: (i, 0)),
        ],
        out_shape=[
            jax.ShapeDtypeStruct((N_NODES, D), jnp.float32),
            jax.ShapeDtypeStruct((N_NODES, DEGW), jnp.float32),
        ],
    )(x, deg_p, deg_p)


def _agg_body(y_hbm, src_hbm, dst_hbm, acc_out,
              src0, src1, dst0, dst1, rows0, rows1, rows2,
              g0, g1, g2, isem, acc_sh):
    c = lax.axis_index("c")
    s = lax.axis_index("s")
    w = s * NC + c
    rows = [rows0, rows1, rows2]
    gsem = [g0, g1, g2]
    srcb = [src0, src1]
    dstb = [dst0, dst1]

    cp_s = pltpu.async_copy(src_hbm.at[w, 0], src0, isem)
    cp_d = pltpu.async_copy(dst_hbm.at[w, 0], dst0, isem)

    def zrow(r, carry):
        for l in range(D // 16):
            rows1[r, pl.ds(l * 16, 16)] = jnp.zeros((16,), jnp.float32)
        return carry

    lax.fori_loop(0, K, zrow, 0)
    base = s * RPW
    for q in range(RPW // K):
        pltpu.sync_copy(rows1, acc_sh.at[pl.ds(base + q * K, K)])
    cp_s.wait()
    cp_d.wait()
    plsc.subcore_barrier()

    for j in range(NBUF):
        pltpu.async_copy(y_hbm.at[src0.at[j]], rows[j], gsem[j])

    TOT = NP * HCH
    for j in range(TOT):
        p, q, b = j // HCH, j % HCH, j % NBUF
        if q == 0 and p + 1 < NP:
            pltpu.async_copy(src_hbm.at[w, p + 1], srcb[(p + 1) % 2], isem)
            pltpu.async_copy(dst_hbm.at[w, p + 1], dstb[(p + 1) % 2], isem)
        if q == HCH - NBUF and p + 1 < NP:
            pltpu.make_async_copy(src_hbm.at[w, 0],
                                  srcb[(p + 1) % 2], isem).wait()
            pltpu.make_async_copy(dst_hbm.at[w, 0],
                                  dstb[(p + 1) % 2], isem).wait()
        pltpu.make_async_copy(y_hbm.at[src0.at[0]], rows[b], gsem[b]).wait()
        pltpu.sync_copy(rows[b], acc_sh.at[dstb[p % 2].at[q]], add=True)
        jn = j + NBUF
        if jn < TOT:
            pn, qn = jn // HCH, jn % HCH
            pltpu.async_copy(y_hbm.at[srcb[pn % 2].at[qn]], rows[b], gsem[b])

    plsc.subcore_barrier()
    pltpu.sync_copy(acc_sh.at[pl.ds(base, RPW)],
                    acc_out.at[c, pl.ds(base, RPW)])


@jax.jit
def _agg_kernel(y, src4, dst4):
    return pl.kernel(
        _agg_body,
        out_type=jax.ShapeDtypeStruct((NC, NPAD, D), jnp.float32),
        mesh=_mesh(),
        scratch_types=[
            pltpu.VMEM((HCH, K), jnp.int32),
            pltpu.VMEM((HCH, K), jnp.int32),
            pltpu.VMEM((HCH, K), jnp.int32),
            pltpu.VMEM((HCH, K), jnp.int32),
            pltpu.VMEM((K, D), jnp.float32),
            pltpu.VMEM((K, D), jnp.float32),
            pltpu.VMEM((K, D), jnp.float32),
            pltpu.SemaphoreType.DMA,
            pltpu.SemaphoreType.DMA,
            pltpu.SemaphoreType.DMA,
            pltpu.SemaphoreType.DMA,
            pltpu.VMEM_SHARED((NPAD, D), jnp.float32),
        ],
    )(y, src4, dst4)


def _final_body(a_ref, b_ref, dis_ref, out_ref):
    acc = a_ref[0] + b_ref[0]
    out_ref[...] = jnp.maximum(acc * dis_ref[:, 0:1], 0.0)


@jax.jit
def _final_kernel(acc, dis):
    return pl.pallas_call(
        _final_body,
        grid=(N_NODES // BR,),
        in_specs=[
            pl.BlockSpec((1, BR, D), lambda i: (0, i, 0)),
            pl.BlockSpec((1, BR, D), lambda i: (1, i, 0)),
            pl.BlockSpec((BR, DEGW), lambda i: (i, 0)),
        ],
        out_specs=pl.BlockSpec((BR, D), lambda i: (i, 0)),
        out_shape=jax.ShapeDtypeStruct((N_NODES, D), jnp.float32),
    )(acc, acc, dis)


@jax.jit
def kernel(x, edge_index, line_graph_val):
    src4 = edge_index[0].astype(jnp.int32).reshape(NW, NP, HCH, K)
    dst4 = edge_index[1].astype(jnp.int32).reshape(NW, NP, HCH, K)

    zeros_deg = jnp.zeros((NPAD, DEGW), jnp.float32)
    ones_k = jnp.ones((K, DEGW), jnp.float32)

    deg_p = _deg_kernel(dst4, zeros_deg, ones_k)
    y, dis = _scale_kernel(x, deg_p)
    acc = _agg_kernel(y, src4, dst4)
    return _final_kernel(acc, dis)

# --- scband reference (transcript-rebuilt; emitter-appended) ---
"""Pipeline reference for scband-gcn-rel-73839077752936 (READ-ONLY COPY).

The authoritative reference and input builder live on the scoring server;
editing this copy changes nothing except your own understanding.
"""

import jax, jax.numpy as jnp
import numpy as np

N_NODES = 10000
N_EDGES = 320000
D_FEAT = 128


def setup_inputs(seed: int = 0) -> dict:
    key = jax.random.key(seed)
    k1, k2, k3 = jax.random.split(key, 3)
    x = jax.random.normal(k1, (N_NODES, D_FEAT), dtype=jnp.float32)
    edge_index = jax.random.randint(k2, (2, N_EDGES), 0, N_NODES)
    line_graph_val = jax.random.normal(k3, (N_EDGES,), dtype=jnp.float32)
    return {"x": x, "edge_index": edge_index, "line_graph_val": line_graph_val}


def reference(x, edge_index, line_graph_val):
    # edge_index_j (source), edge_index_i (destination)
    edge_index_j = edge_index[0]
    edge_index_i = edge_index[1]
    n = x.shape[0]
    # degree(edge_index_i, N): count of incoming edges per node
    deg = jax.ops.segment_sum(
        jnp.ones((edge_index_i.shape[0],), dtype=x.dtype), edge_index_i, num_segments=n
    )
    deg_inv_sqrt = jnp.power(deg, -0.5)
    norm = deg_inv_sqrt[edge_index_j] * deg_inv_sqrt[edge_index_i]
    # spmm(edge_index[[1,0]], norm, N, N, x): row=edge_index_i, col=edge_index_j
    # out[row] += norm * x[col]
    msg = norm[:, None] * jnp.take(x, edge_index_j, axis=0)
    out = jax.ops.segment_sum(msg, edge_index_i, num_segments=n)
    return jax.nn.relu(out)

if __name__ == "__main__":
    import jax
    _d = setup_inputs()
    print(jax.jit(kernel)(*tuple(_d.values())))

</pallas_src>

<mosaic_0001>
#map = affine_map<(d0, d1) -> (0, 0, 0, 0)>
#map1 = affine_map<(d0, d1) -> (0, 0)>
#map2 = affine_map<(d0, d1) -> (0, 0, 0)>
module attributes {stable_mosaic.version = 14 : i64} {
  func.func @_deg_body(%arg0: i32, %arg1: i32, %arg2: memref<32x5x25x80xi32, #tpu.memory_space<hbm>>, %arg3: memref<10240x8xf32, #tpu.memory_space<hbm>>, %arg4: memref<80x8xf32, #tpu.memory_space<hbm>>, %arg5: memref<2x10240x8xf32, #tpu.memory_space<hbm>>, %arg6: memref<5x25x80xi32, #tpu.memory_space<vmem>>, %arg7: memref<80x8xf32, #tpu.memory_space<vmem>>, %arg8: memref<!tpu.dma_semaphore, #tpu.memory_space<semaphore_mem>>, %arg9: memref<10240x8xf32, #tpu.memory_space<vmem_shared>>) attributes {dimension_semantics = [#tpu.dimension_semantics<core_parallel>, #tpu.dimension_semantics<subcore_parallel>], iteration_bounds = array<i64: 2, 16>, scalar_prefetch = 0 : i64, scratch_operands = 4 : i64, tpu.core_type = #tpu.core_type<sc_vector_subcore>, window_params = [{transform_indices = #map}, {transform_indices = #map1}, {transform_indices = #map1}, {transform_indices = #map2}]} {
    %mul3A = arith.constant 2 : i32
    %mul3A_0 = arith.muli %arg1, %mul3A : i32
    %add3A = arith.addi %mul3A_0, %arg0 : i32
    %dma_start3A = arith.constant 0 : i32
    %dma_start3A_1 = arith.constant 0 : i32
    %dma_start3A_2 = arith.constant 0 : i32
    %dma_start3A_3 = tpu.memref_slice %arg2[%add3A, %dma_start3A, %dma_start3A_1, %dma_start3A_2] : memref<32x5x25x80xi32, #tpu.memory_space<hbm>> -> memref<1x5x25x80xi32, #tpu.memory_space<hbm>>
    %dma_start3A_4 = tpu.memref_squeeze %dma_start3A_3 : memref<1x5x25x80xi32, #tpu.memory_space<hbm>> -> memref<5x25x80xi32, #tpu.memory_space<hbm>>
    %dma_start3A_5 = arith.constant 0 : i32
    %dma_start3A_6 = arith.constant 0 : i32
    %dma_start3A_7 = arith.constant 0 : i32
    %dma_start3A_8 = tpu.memref_slice %arg2[%add3A, %dma_start3A_5, %dma_start3A_6, %dma_start3A_7] : memref<32x5x25x80xi32, #tpu.memory_space<hbm>> -> memref<1x5x25x80xi32, #tpu.memory_space<hbm>>
    %dma_start3A_9 = tpu.memref_squeeze %dma_start3A_8 : memref<1x5x25x80xi32, #tpu.memory_space<hbm>> -> memref<5x25x80xi32, #tpu.memory_space<hbm>>
    tpu.enqueue_dma source(%dma_start3A_9 : memref<5x25x80xi32, #tpu.memory_space<hbm>>) target(%arg6 : memref<5x25x80xi32, #tpu.memory_space<vmem>>) target_semaphore(%arg8 : memref<!tpu.dma_semaphore, #tpu.memory_space<semaphore_mem>>)
    "tpu.region"() ({
      %run_scoped3A = tpu.sem_alloc : memref<!tpu.dma_semaphore, #tpu.memory_space<semaphore_mem>>
      tpu.enqueue_dma source(%arg4 : memref<80x8xf32, #tpu.memory_space<hbm>>) target(%arg7 : memref<80x8xf32, #tpu.memory_space<vmem>>) target_semaphore(%run_scoped3A : memref<!tpu.dma_semaphore, #tpu.memory_space<semaphore_mem>>)
      tpu.wait_dma2 semaphore(%run_scoped3A : memref<!tpu.dma_semaphore, #tpu.memory_space<semaphore_mem>>) src(%arg4 : memref<80x8xf32, #tpu.memory_space<hbm>>) dst(%arg7 : memref<80x8xf32, #tpu.memory_space<vmem>>)
      tpu.yield
    }) : () -> ()
    %mul3A_10 = arith.constant 640 : i32
    %mul3A_11 = arith.muli %arg1, %mul3A_10 : i32
    %mul3A_12 = arith.constant 640 : i32
    %mul3A_13 = arith.muli %arg1, %mul3A_12 : i32
    "tpu.region"() ({
      %run_scoped3A = tpu.sem_alloc : memref<!tpu.dma_semaphore, #tpu.memory_space<semaphore_mem>>
      %dma_start3A_39 = arith.constant 0 : i32
      %dma_start3A_40 = tpu.memref_slice %arg9[%mul3A_13, %dma_start3A_39] : memref<10240x8xf32, #tpu.memory_space<vmem_shared>> -> memref<640x8xf32, #tpu.memory_space<vmem_shared>>
      %dma_start3A_41 = arith.constant 0 : i32
      %dma_start3A_42 = tpu.memref_slice %arg3[%mul3A_11, %dma_start3A_41] : memref<10240x8xf32, #tpu.memory_space<hbm>> -> memref<640x8xf32, #tpu.memory_space<hbm>>
      tpu.enqueue_dma source(%dma_start3A_42 : memref<640x8xf32, #tpu.memory_space<hbm>>) target(%dma_start3A_40 : memref<640x8xf32, #tpu.memory_space<vmem_shared>>) target_semaphore(%run_scoped3A : memref<!tpu.dma_semaphore, #tpu.memory_space<semaphore_mem>>)
      %dma_wait3A_43 = arith.constant 0 : i32
      %dma_wait3A_44 = tpu.memref_slice %arg9[%mul3A_13, %dma_wait3A_43] : memref<10240x8xf32, #tpu.memory_space<vmem_shared>> -> memref<640x8xf32, #tpu.memory_space<vmem_shared>>
      %dma_wait3A_45 = arith.constant 0 : i32
      %dma_wait3A_46 = tpu.memref_slice %arg3[%mul3A_11, %dma_wait3A_45] : memref<10240x8xf32, #tpu.memory_space<hbm>> -> memref<640x8xf32, #tpu.memory_space<hbm>>
      tpu.wait_dma2 semaphore(%run_scoped3A : memref<!tpu.dma_semaphore, #tpu.memory_space<semaphore_mem>>) src(%dma_wait3A_46 : memref<640x8xf32, #tpu.memory_space<hbm>>) dst(%dma_wait3A_44 : memref<640x8xf32, #tpu.memory_space<vmem_shared>>)
      tpu.yield
    }) : () -> ()
    %dma_wait3A = arith.constant 0 : i32
    %dma_wait3A_14 = arith.constant 0 : i32
    %dma_wait3A_15 = arith.constant 0 : i32
    %dma_wait3A_16 = tpu.memref_slice %arg2[%add3A, %dma_wait3A, %dma_wait3A_14, %dma_wait3A_15] : memref<32x5x25x80xi32, #tpu.memory_space<hbm>> -> memref<1x5x25x80xi32, #tpu.memory_space<hbm>>
    %dma_wait3A_17 = tpu.memref_squeeze %dma_wait3A_16 : memref<1x5x25x80xi32, #tpu.memory_space<hbm>> -> memref<5x25x80xi32, #tpu.memory_space<hbm>>
    %dma_wait3A_18 = arith.constant 0 : i32
    %dma_wait3A_19 = arith.constant 0 : i32
    %dma_wait3A_20 = arith.constant 0 : i32
    %dma_wait3A_21 = tpu.memref_slice %arg2[%add3A, %dma_wait3A_18, %dma_wait3A_19, %dma_wait3A_20] : memref<32x5x25x80xi32, #tpu.memory_space<hbm>> -> memref<1x5x25x80xi32, #tpu.memory_space<hbm>>
    %dma_wait3A_22 = tpu.memref_squeeze %dma_wait3A_21 : memref<1x5x25x80xi32, #tpu.memory_space<hbm>> -> memref<5x25x80xi32, #tpu.memory_space<hbm>>
    tpu.wait_dma2 semaphore(%arg8 : memref<!tpu.dma_semaphore, #tpu.memory_space<semaphore_mem>>) src(%dma_wait3A_22 : memref<5x25x80xi32, #tpu.memory_space<hbm>>) dst(%arg6 : memref<5x25x80xi32, #tpu.memory_space<vmem>>)
    %barrier3A = arith.constant 0 : index
    tpu.barrier barrier_id(%barrier3A)
    %scan3A = arith.constant 0 : i32
    %scan3A_23 = arith.constant 0 : i32
    %scan3A_24 = arith.constant 125 : i32
    %scan3A_25 = arith.addi %scan3A_23, %scan3A_24 : i32
    %scan3A_26 = arith.constant 1 : i32
    scf.for %scan3A_39 = %scan3A_23 to %scan3A_25 step %scan3A_26  : i32 {
      %jit3A = arith.constant 25 : i32
      %div3A = arith.divsi %scan3A_39, %jit3A : i32
      %sign3A = arith.constant 0 : i32
      %sign3A_40 = arith.cmpi sgt, %scan3A_39, %sign3A : i32
      %sign3A_41 = arith.extui %sign3A_40 : i1 to i32
      %sign3A_42 = arith.constant 0 : i32
      %sign3A_43 = arith.cmpi slt, %scan3A_39, %sign3A_42 : i32
      %sign3A_44 = arith.extui %sign3A_43 : i1 to i32
      %sign3A_45 = arith.subi %sign3A_41, %sign3A_44 : i32
      %sign3A_46 = arith.constant 0 : i32
      %sign3A_47 = arith.cmpi sgt, %jit3A, %sign3A_46 : i32
      %sign3A_48 = arith.extui %sign3A_47 : i1 to i32
      %sign3A_49 = arith.constant 0 : i32
      %sign3A_50 = arith.cmpi slt, %jit3A, %sign3A_49 : i32
      %sign3A_51 = arith.extui %sign3A_50 : i1 to i32
      %sign3A_52 = arith.subi %sign3A_48, %sign3A_51 : i32
      %ne3A = arith.cmpi ne, %sign3A_45, %sign3A_52 : i32
      %rem3A = arith.remsi %scan3A_39, %jit3A : i32
      %ne3A_53 = arith.constant 0 : i32
      %ne3A_54 = arith.cmpi ne, %rem3A, %ne3A_53 : i32
      %and3A = arith.andi %ne3A, %ne3A_54 : i1
      %sub3A = arith.constant 1 : i32
      %sub3A_55 = arith.subi %div3A, %sub3A : i32
      %select_n3A = arith.select %and3A, %sub3A_55, %div3A : i32
      %jit3A_56 = arith.constant 25 : i32
      %eq3A = arith.constant 0 : i32
      %eq3A_57 = arith.cmpi eq, %jit3A_56, %eq3A : i32
      %jit3A_58 = arith.constant 1 : i32
      %select_n3A_59 = arith.select %eq3A_57, %jit3A_58, %jit3A_56 : i32
      %rem3A_60 = arith.remsi %scan3A_39, %select_n3A_59 : i32
      %ne3A_61 = arith.constant 0 : i32
      %ne3A_62 = arith.cmpi ne, %rem3A_60, %ne3A_61 : i32
      %lt3A = arith.constant 0 : i32
      %lt3A_63 = arith.cmpi slt, %rem3A_60, %lt3A : i32
      %lt3A_64 = arith.constant 0 : i32
      %lt3A_65 = arith.cmpi slt, %select_n3A_59, %lt3A_64 : i32
      %ne3A_66 = arith.xori %lt3A_63, %lt3A_65 : i1
      %and3A_67 = arith.andi %ne3A_66, %ne3A_62 : i1
      %add3A_68 = arith.addi %rem3A_60, %select_n3A_59 : i32
      %select_n3A_69 = arith.select %and3A_67, %add3A_68, %rem3A_60 : i32
      %dma_start3A_70 = arith.constant 0 : i32
      %dma_start3A_71 = tpu.memref_slice %arg6[%select_n3A, %select_n3A_69, %dma_start3A_70] : memref<5x25x80xi32, #tpu.memory_space<vmem>> -> memref<1x1x80xi32, #tpu.memory_space<vmem>>
      %dma_start3A_72 = tpu.memref_squeeze %dma_start3A_71 : memref<1x1x80xi32, #tpu.memory_space<vmem>> -> memref<80xi32, #tpu.memory_space<vmem>>
      %dma_start3A_73 = arith.constant 0 : i32
      %dma_start3A_74 = arith.constant 0 : i32
      %dma_start3A_75 = tpu.memref_slice %arg9[%dma_start3A_73, %dma_start3A_74] : memref<10240x8xf32, #tpu.memory_space<vmem_shared>> -> memref<10240x8xf32, #tpu.memory_space<vmem_shared>>
      tpu.enqueue_indirect_dma source(%arg7 : memref<80x8xf32, #tpu.memory_space<vmem>>) target(%dma_start3A_75 : memref<10240x8xf32, #tpu.memory_space<vmem_shared>>) offsets(%dma_start3A_72 : memref<80xi32, #tpu.memory_space<vmem>>) semaphore(%arg8 : memref<!tpu.dma_semaphore, #tpu.memory_space<semaphore_mem>>) {add = true}
    }
    %scan3A_27 = arith.constant 125 : i32
    %scan3A_28 = arith.constant 0 : i32
    %scan3A_29 = arith.constant 0 : i32
    %scan3A_30 = arith.constant 125 : i32
    %scan3A_31 = arith.addi %scan3A_29, %scan3A_30 : i32
    %scan3A_32 = arith.constant 1 : i32
    scf.for %scan3A_39 = %scan3A_29 to %scan3A_31 step %scan3A_32  : i32 {
      %dma_wait3A_40 = arith.constant 0 : i32
      %dma_wait3A_41 = arith.constant 0 : i32
      %dma_wait3A_42 = arith.constant 0 : i32
      %dma_wait3A_43 = tpu.memref_slice %arg6[%dma_wait3A_40, %dma_wait3A_41, %dma_wait3A_42] : memref<5x25x80xi32, #tpu.memory_space<vmem>> -> memref<1x1x80xi32, #tpu.memory_space<vmem>>
      %dma_wait3A_44 = tpu.memref_squeeze %dma_wait3A_43 : memref<1x1x80xi32, #tpu.memory_space<vmem>> -> memref<80xi32, #tpu.memory_space<vmem>>
      %dma_wait3A_45 = arith.constant 0 : i32
      %dma_wait3A_46 = arith.constant 0 : i32
      %dma_wait3A_47 = tpu.memref_slice %arg9[%dma_wait3A_45, %dma_wait3A_46] : memref<10240x8xf32, #tpu.memory_space<vmem_shared>> -> memref<10240x8xf32, #tpu.memory_space<vmem_shared>>
      tpu.wait_indirect_dma semaphore(%arg8 : memref<!tpu.dma_semaphore, #tpu.memory_space<semaphore_mem>>) src(%arg7 : memref<80x8xf32, #tpu.memory_space<vmem>>) dst(%dma_wait3A_47 : memref<10240x8xf32, #tpu.memory_space<vmem_shared>>)
    }
    %scan3A_33 = arith.constant 125 : i32
    %barrier3A_34 = arith.constant 0 : index
    tpu.barrier barrier_id(%barrier3A_34)
    %mul3A_35 = arith.constant 640 : i32
    %mul3A_36 = arith.muli %arg1, %mul3A_35 : i32
    %mul3A_37 = arith.constant 640 : i32
    %mul3A_38 = arith.muli %arg1, %mul3A_37 : i32
    "tpu.region"() ({
      %run_scoped3A = tpu.sem_alloc : memref<!tpu.dma_semaphore, #tpu.memory_space<semaphore_mem>>
      %dma_start3A_39 = arith.constant 0 : i32
      %dma_start3A_40 = tpu.memref_slice %arg5[%arg0, %mul3A_38, %dma_start3A_39] : memref<2x10240x8xf32, #tpu.memory_space<hbm>> -> memref<1x640x8xf32, #tpu.memory_space<hbm>>
      %dma_start3A_41 = tpu.memref_squeeze %dma_start3A_40 : memref<1x640x8xf32, #tpu.memory_space<hbm>> -> memref<640x8xf32, #tpu.memory_space<hbm>>
      %dma_start3A_42 = arith.constant 0 : i32
      %dma_start3A_43 = tpu.memref_slice %arg9[%mul3A_36, %dma_start3A_42] : memref<10240x8xf32, #tpu.memory_space<vmem_shared>> -> memref<640x8xf32, #tpu.memory_space<vmem_shared>>
      tpu.enqueue_dma source(%dma_start3A_43 : memref<640x8xf32, #tpu.memory_space<vmem_shared>>) target(%dma_start3A_41 : memref<640x8xf32, #tpu.memory_space<hbm>>) target_semaphore(%run_scoped3A : memref<!tpu.dma_semaphore, #tpu.memory_space<semaphore_mem>>)
      %dma_wait3A_44 = arith.constant 0 : i32
      %dma_wait3A_45 = tpu.memref_slice %arg5[%arg0, %mul3A_38, %dma_wait3A_44] : memref<2x10240x8xf32, #tpu.memory_space<hbm>> -> memref<1x640x8xf32, #tpu.memory_space<hbm>>
      %dma_wait3A_46 = tpu.memref_squeeze %dma_wait3A_45 : memref<1x640x8xf32, #tpu.memory_space<hbm>> -> memref<640x8xf32, #tpu.memory_space<hbm>>
      %dma_wait3A_47 = arith.constant 0 : i32
      %dma_wait3A_48 = tpu.memref_slice %arg9[%mul3A_36, %dma_wait3A_47] : memref<10240x8xf32, #tpu.memory_space<vmem_shared>> -> memref<640x8xf32, #tpu.memory_space<vmem_shared>>
      tpu.wait_dma2 semaphore(%run_scoped3A : memref<!tpu.dma_semaphore, #tpu.memory_space<semaphore_mem>>) src(%dma_wait3A_48 : memref<640x8xf32, #tpu.memory_space<vmem_shared>>) dst(%dma_wait3A_46 : memref<640x8xf32, #tpu.memory_space<hbm>>)
      tpu.yield
    }) : () -> ()
    return
  }
}

</mosaic_0001>

<sc_bundles>
// kernel: _deg_kernel.3.cloned.1.call-start
scs
__scs_entry_jumppad:
0x0: {  	(pc) =	sbr.rel $0x88, $3  }
0x1: {  	(tag) =	ssettag $0x0;
	lr =	simm.s32 $0x1  }
0x2: {  	[smem:$0x3F9E] =	sst lr;
	_ =	strace $0xD0000000  }
0x3: {  	_ = 	snop  }
0x4: {  	_ = 	snop  }
0x5: {  	_ = 	snop  }
0x6: {  	_ = 	snop  }
0x7: {  	_ = 	snop  }
__scs_overlays_trampoline_lowered:
0x8: {  	[smem:$0x3FAD] =	sst s0  }
0x9: {  	[smem:$0x3FAE] =	sst s1  }
0xa: {  	[smem:$0x3FAF] =	sst s2  }
0xb: {  	[smem:$0x3FB0] =	sst s3  }
0xc: {  	[smem:$0x3FB1] =	sst s4  }
0xd: {  	[smem:$0x3FB2] =	sst s5  }
0xe: {  	[smem:$0x3FB3] =	sst s6  }
0xf: {  	[smem:$0x3FB4] =	sst s7  }
0x10: {  	[smem:$0x3FB5] =	sst s8  }
0x11: {  	[smem:$0x3FB6] =	sst s9;
	s0 =	simm.s32 @!p0 $0x0  }
0x12: {  	s1 =	sld [smem:$0x3F9C];
	s0 =	simm.s32 @p0 $0x1  }
0x13: {  	[smem:$0x3FB7] =	sst s0;
	s0 =	simm.s32 @!p1 $0x0  }
0x14: {  	s2 =	sld [smem:$0x3F9B];
	s0 =	simm.s32 @p1 $0x1  }
0x15: {  	[smem:$0x3FB8] =	sst s0;
	s0 =	simm.s32 @!p2 $0x0  }
0x16: {  	s3 =	sld [smem:$0x3FDB];
	s0 =	simm.s32 @p2 $0x1  }
0x17: {  	s4 =	simm.s32 $0x1BF5;
	[smem:$0x3FBA] =	sst s0  }
0x18: {  	s0 =	sld [smem:$0x3F9D];
	_ =	swait.ge [sflag:s4], $0x0  }
0x19: {  	s7 =	sld [smem:$0x3F9E]  }
0x1a: {  	s8 =	sadd.s32 $0xFFFFE003, lr  }
0x1b: {  	s9 =	sadd.s32 $0xFFFFFEF7, lr;
	s5 =	simm.s32 $0xFFFFFFFF;
	p2 =	slt.u32 s8, $0xFFFFF086  }
0x1c: {  	p1 =	slt.u32 s9, $0xF7A;
	s5 =	simm.s32 @!p2 $0x0  }
0x1d: {  	s5 =	simm.s32 @p1 $0x1;
	p0 =	seq.s32 s7, s2  }
0x1e: {  	s7 =	smul.u32 @!p0 $0xF7A, s2;
	p2 =	seq.s32 @!p0 s5, $0x0  }
0x1f: {  	s9 =	smul.u32 $0xF7A, s1;
	s8 =	simm.s32 @!p0 $0x1BF5;
	p2 =	por !p2, p0  }
0x20: {  	[sflag:s8] =	ssyncset.s32 @!p0 $0xFFFFF086;
	s6 =	sadd.s32 @!p0 s3, s7;
	s7 =	simm.s32 @!p0 $0x108  }
0x21: {  	s3 =	sadd.s32 s3, s9;
	s6 =	sadd.s32 @!p0 $0x88, s6;
	s7 =	simm.s32 @p2 $0x1082  }
0x22: {  	[simem:s7], [sflag:s8] =	dma.local @!p0 [hbm:s6], $0xF7A  }
0x23: {  	s9 =	sor.u32 $0xD0000000, s2;
	s6 =	simm.s32 $0x108;
	_ =	swait.ge @!p0 [sflag:s8], $0x0  }
0x24: {  	s3 =	sadd.s32 $0x88, s3;
	s6 =	simm.s32 @!p1 $0x1082;
	[sflag:s4] =	ssyncset.s32 $0xFFFFF086  }
0x25: {  	[simem:s6], [sflag:s4] =	dma.local [hbm:s3], $0xF7A  }
0x26: {  	[smem:$0x3F9E] =	sst s1;
	(tag) =	ssettag s2;
	_ =	strace s9  }
0x27: {  	s1 =	sld [smem:$0x3FAE]  }
0x28: {  	s2 =	sld [smem:$0x3FAF]  }
0x29: {  	s4 =	sld [smem:$0x3FB1]  }
0x2a: {  	p0 =	seq.s32 s5, $0x0;
	s5 =	sld [smem:$0x3FB2]  }
0x2b: {  	s6 =	sld [smem:$0x3FB3]  }
0x2c: {  	s7 =	sld [smem:$0x3FB4]  }
0x2d: {  	s3 =	simm.s32 $0x108;
	s8 =	sld [smem:$0x3FB5]  }
0x2e: {  	s3 =	simm.s32 @!p0 $0x1082;
	s9 =	sld [smem:$0x3FB6]  }
0x2f: {  	lr =	sadd.s32 s0, s3;
	s0 =	sld [smem:$0x3FAD]  }
0x30: {  	s3 =	sld [smem:$0x3FB0]  }
0x31: {  	[smem:$0x3FB9] =	sst s10  }
0x32: {  	s10 =	sld [smem:$0x3FB7];
	_ =	sdelay $0x3  }
0x33: {  	p0 =	seq.s32 s10, $0x1;
	s10 =	sld [smem:$0x3FB9];
	_ =	sdelay $0x3  }
0x34: {  	[smem:$0x3FB9] =	sst s10  }
0x35: {  	s10 =	sld [smem:$0x3FB8];
	_ =	sdelay $0x3  }
0x36: {  	p1 =	seq.s32 s10, $0x1;
	s10 =	sld [smem:$0x3FB9];
	_ =	sdelay $0x3  }
0x37: {  	[smem:$0x3FB9] =	sst s10  }
0x38: {  	s10 =	sld [smem:$0x3FBA]  }
0x39: {  	_ = 	snop;
	(pc) =	sbr.ind lr, $3  }
0x3a: {  	_ = 	snop  }
0x3b: {  	_ = 	snop  }
0x3c: {  	p2 =	seq.s32 s10, $0x1;
	s10 =	sld [smem:$0x3FB9]  }
0x3d: {  	_ =	shalt  }
0x3e: {  	_ =	shalt  }
0x3f: {  	_ =	shalt  }
0x40: {  	_ =	shalt  }
0x41: {  	_ =	shalt  }
0x42: {  	_ =	shalt  }
0x43: {  	_ =	shalt  }
0x44: {  	_ =	shalt  }
0x45: {  	_ =	shalt  }
0x46: {  	_ =	shalt  }
0x47: {  	_ =	shalt  }
0x48: {  	_ =	shalt  }
0x49: {  	_ =	shalt  }
0x4a: {  	_ =	shalt  }
0x4b: {  	_ =	shalt  }
0x4c: {  	_ =	shalt  }
0x4d: {  	_ =	shalt  }
0x4e: {  	_ =	shalt  }
0x4f: {  	_ =	shalt  }
0x50: {  	_ =	shalt  }
0x51: {  	_ =	shalt  }
0x52: {  	_ =	shalt  }
0x53: {  	_ =	shalt  }
0x54: {  	_ =	shalt  }
0x55: {  	_ =	shalt  }
0x56: {  	_ =	shalt  }
0x57: {  	_ =	shalt  }
0x58: {  	_ =	shalt  }
0x59: {  	_ =	shalt  }
0x5a: {  	_ =	shalt  }
0x5b: {  	_ =	shalt  }
0x5c: {  	_ =	shalt  }
0x5d: {  	_ =	shalt  }
0x5e: {  	_ =	shalt  }
0x5f: {  	_ =	shalt  }
0x60: {  	_ =	shalt  }
0x61: {  	_ =	shalt  }
0x62: {  	_ =	shalt  }
0x63: {  	_ =	shalt  }
0x64: {  	_ =	shalt  }
0x65: {  	_ =	shalt  }
0x66: {  	_ =	shalt  }
0x67: {  	_ =	shalt  }
0x68: {  	_ =	shalt  }
0x69: {  	_ =	shalt  }
0x6a: {  	_ =	shalt  }
0x6b: {  	_ =	shalt  }
0x6c: {  	_ =	shalt  }
0x6d: {  	_ =	shalt  }
0x6e: {  	_ =	shalt  }
0x6f: {  	_ =	shalt  }
0x70: {  	_ =	shalt  }
0x71: {  	_ =	shalt  }
0x72: {  	_ =	shalt  }
0x73: {  	_ =	shalt  }
0x74: {  	_ =	shalt  }
0x75: {  	_ =	shalt  }
0x76: {  	_ =	shalt  }
0x77: {  	_ =	shalt  }
0x78: {  	_ =	shalt  }
0x79: {  	_ =	shalt  }
0x7a: {  	_ =	shalt  }
0x7b: {  	_ =	shalt  }
0x7c: {  	_ =	shalt  }
0x7d: {  	_ =	shalt  }
0x7e: {  	_ =	shalt  }
0x7f: {  	_ =	shalt  }
0x80: {  	_ =	shalt  }
0x81: {  	_ =	shalt  }
0x82: {  	_ =	shalt  }
0x83: {  	_ =	shalt  }
0x84: {  	_ =	shalt  }
0x85: {  	_ =	shalt  }
0x86: {  	_ =	shalt  }
0x87: {  	_ =	shalt  }
.Lfunc_end0:
.L_simem_size_0:
called_computation_lowered:
.L_overlay_start_0:
0x88: {  	s2 =	sld [smem:$0x3FD9]  }
0x89: {  	s3 =	sld [smem:$0x3FFE];
	_ =	sdelay $0x1  }
0x8a: {  	s1 =	srdreg.scid  }
0x8b: {  	s0 =	sand.u32 $0x1, s1  }
0x8c: {  	s17 =	sshll.u32 s0, $0xA;
	s2 =	sadd.s32 s3, s2  }
0x8d: {  	s2 =	sadd.s32 s2, s17  }
0x8e: {  	[smem:$0x3FC5] =	sst s2  }
0x8f: {  	_ = 	snop  }
0x90: {  	s2 =	sld [smem:$0x3FD0];
	(tm) =	ssettm $0x1  }
0x91: {  	s18 =	sld [smem:$0x3FFB];
	_ =	sdelay $0x3  }
0x92: {  	_ =	strace s18  }
0x93: {  	s3 =	sld [smem:$0x3FFC];
	_ =	sdelay $0x3  }
0x94: {  	_ =	strace s3  }
0x95: {  	s3 =	sld [smem:$0x3FFD];
	_ =	sdelay $0x3  }
0x96: {  	_ =	strace s3  }
0x97: {  	_ =	strace $0x8FFFFFFF  }
0x98: {  	s19 =	sld [smem:$0x3FDB];
	_ =	sdelay $0x1  }
0x99: {  	s4 =	simm.s32 $_scs_section_size  }
0x9a: {  	s5 =	simm.s32 $_size__tile_overlayer_lowered;
	s6 =	simm.s32 $_tile_overlayer_lowered  }
0x9b: {  	s22 =	simm.s32 $0x1BFF;
	s21 =	sshll.u32 s6, $0x1;
	s3 =	sadd.s32 s4, s19  }
0x9c: {  	s7 =	simm.s32 $0x0;
	s20 =	sshll.u32 s5, $0x1;
	s5 =	sadd.s32 s21, s3  }
0x9d: {  	[timem:s7], [sflag:s22] =	dma.local [hbm:s5], s20  }
0x9e: {  	_ =	swait.ge [sflag:s22], s20  }
0x9f: {  	s4 =	ssub.s32 $0x0, s20;
	[sflag:s22] =	ssyncset.done $0x0  }
0xa0: {  	[sflag:s22] =	ssyncadd.s32 s4;
	_ =	sdelay $0x1  }
0xa1: {  	s23 =	simm.s32 $0x1B8B  }
0xa2: {  	_ =	swait.ge [sflag:s23], $0x1  }
0xa3: {  	[sflag:s23] =	ssyncset.done $0x0  }
0xa4: {  	s25 =	simm.s32 $0x1B8E;
	s24 =	sld [smem:$0x3FFE];
	[sflag:s23] =	ssyncadd.s32 $0xFFFFFFFF  }
0xa5: {  	s26 =	simm.s32 $execute0_lowered;
	[smem:$0x3FD2] =	sst s25  }
0xa6: {  	s5 =	sshll.u32 s26, $0x1;
	_ =	strace $0x80000046;
	[dreg:$0x1] =	wrdreg $0xFFFFFFFF  }
0xa7: {  	s28 =	simm.s32 $_size_execute0_lowered;
	s3 =	sadd.s32 s3, s5;
	[dreg:$0x0] =	wrdreg $0x0  }
0xa8: {  	s5 =	sshll.u32 s28, $0x1;
	[dreg:$0x2] =	wrdreg s3  }
0xa9: {  	[dreg:$0x3] =	wrdreg s5  }
0xaa: {  	[dreg:$0x4] =	wrdreg $0xC0  }
0xab: {  	_ =	task [dreg:s7], $0x5FFFF  }
0xac: {  	[dreg:$0x1] =	wrdreg $0xFFFFFFFF  }
0xad: {  	[dreg:$0x0] =	wrdreg $0x60  }
0xae: {  	[dreg:$0x2] =	wrdreg s24  }
0xaf: {  	[dreg:$0x3] =	wrdreg s2  }
0xb0: {  	[dreg:$0x4] =	wrdreg $0x78000  }
0xb1: {  	[dreg:$0x5] =	wrdreg $0x9  }
0xb2: {  	_ =	task.clear_ibuf [dreg:s7], $0x6FFFF;
	_ =	strace $0x90000046  }
0xb3: {  	s29 =	simm.s32 $0x9;
	_ =	strace $0x80000048  }
0xb4: {  	_ =	swait.ge [sflag:s29], $0x1  }
0xb5: {  	[sflag:s29] =	ssyncadd.s32 $0xFFFFFFFF  }
0xb6: {  	_ =	strace $0x90000048  }
0xb7: {  	_ =	sfence  }
0xb8: {  	s30 =	sld [smem:$0x0];
	_ =	sdelay $0x2  }
0xb9: {  	s31 =	sshll.u32 s1, $0xD;
	s1 =	sshrl.u32 s1, $0x2  }
0xba: {  	s3 =	sand.u32 $0x4000, s31;
	s1 =	sadd.s32 s1, s30  }
0xbb: {  	s0 =	sor.u32 s3, s0;
	s1 =	sshll.u32 s1, $0x11  }
0xbc: {  	s0 =	sor.u32 s1, s0  }
0xbd: {  	s0 =	sadd.s32 $0x8F2B, s0  }
0xbe: {  	[sflag:s0] =	ssyncadd.remote.s32 $0x1  }
0xbf: {  	_ =	sfence.sel $0xFFFF  }
0xc0: {  	[dreg:$0x0] =	wrdreg $0xFFFFFFFF;
	(pc) =	sbr.abs _section_cstart, $3  }
0xc1: {  	[dreg:$0x1] =	wrdreg $0xFFFFFFFF  }
0xc2: {  	_ =	task.clear_ibuf [dreg:s7], $0x2FFFF;
	_ =	strace $0x9FFFFFFF  }
0xc3: {  	(tm) =	ssettm $0x7FFFFFFF  }
tec
execute0_lowered:
.L_overlay_start_1:
0x0: {  	(tag) =	ssettag $0x1  }
0x1: {  	s5 =	rddreg [dreg:$0x0]  }
0x2: {  	s1 =	srdreg.scid;
	s2 =	rddreg [dreg:$0x1]  }
0x3: {  	s0 =	stileid.u32;
	s3 =	rddreg [dreg:$0x2]  }
0x4: {  	s4 =	simm.s32 $0x0;
	s13 =	simm.s32 $0x1000;
	s14 =	simm.s32 $0x2000  }
0x5: {  	s15 =	simm.s32 $0x3000;
	s16 =	simm.s32 $0x4000;
	s17 =	simm.s32 $0x5000  }
0x6: {  	s18 =	simm.s32 $0x2;
	s21 =	simm.s32 $0x1;
	s22 =	simm.s32 $0x50  }
0x7: {  	s23 =	simm.s32 $0x0;
	s6 =	sand.u32 $0x1, s1;
	s8 =	smul.u32 $0x14000, s0  }
0x8: {  	s28 =	sshll.u32 s0, $0x1;
	[smem:$0x7FF] =	sst s4;
	s30 =	smul.u32 $0x50000, s0  }
0x9: {  	s19 =	sshll.u32 s0, $0x6;
	s1 =	sor.u32 s6, s28;
	s9 =	smul.u32 $0x140000, s6  }
0xa: {  	s6 =	ssub.s32 $0x2, s6;
	s19 =	sor.u32 $0x1C02, s19;
	s7 =	smul.u32 $0xA00, s1  }
0xb: {  	s1 =	rddreg [dreg:$0x3];
	_ =	strace $0x80000047;
	s29 =	sshrl.u32 s8, $0x3  }
0xc: {  	s10 =	sshrl.u32 s6, $0x1;
	s31 =	sshrl.u32 s30, $0x2;
	s8 =	sadd.s32 s8, s9  }
0xd: {  	s10 =	ssub.s32 s6, s10;
	s20 =	sadd.s32 s31, s3;
	s12 =	sadd.s32 s7, s5  }
0xe: {  	s7 =	sadd.s32 s29, s5;
	s8 =	sshrl.u32 s8, $0x3;
	s20 =	sshrl.u32 s20, $0x3  }
0xf: {  	s8 =	sadd.s32 s8, s5;
	s5 =	sadd.s32 $0x400, s12;
	s6 =	sadd.s32 $0x14400, s7  }
0x10: {  	s9 =	sadd.s32 $0x600, s12;
	s11 =	sadd.s32 $0xA00, s12;
	s7 =	sadd.s32 $0x3C400, s8  }
0x11: {  	s8 =	smax.u32 s10, $0x1;
	s10 =	sadd.s32 $0x800, s12;
	s12 =	sadd.s32 $0xC00, s12  }
.LBB2_1:
0x12: {  	[tilespmem:s4], [sflag:$0x1] =	stream.linear.gather [hbm4b:s5+s4], $0xC80, $0x38;
	[tilespmem:$0x8C00] =	vst v63  }
0x13: {  	_ = 	snop  }
0x14: {  	[tilespmem:s13], [sflag:$0x1] =	stream.linear.gather [hbm4b:s9+s4], $0xC80, $0x38;
	[tilespmem:$0x8C00] =	vst v63  }
0x15: {  	_ = 	snop  }
0x16: {  	[tilespmem:s14], [sflag:$0x1] =	stream.linear.gather [hbm4b:s10+s4], $0xC80, $0x38;
	[tilespmem:$0x8C00] =	vst v63  }
0x17: {  	_ = 	snop  }
0x18: {  	[tilespmem:s15], [sflag:$0x1] =	stream.linear.gather [hbm4b:s11+s4], $0xC80, $0x38;
	[tilespmem:$0x8C00] =	vst v63  }
0x19: {  	_ = 	snop  }
0x1a: {  	[tilespmem:s16], [sflag:$0x1] =	stream.linear.gather [hbm4b:s12+s4], $0xC80, $0x38;
	[tilespmem:$0x8C00] =	vst v63  }
0x1b: {  	_ = 	snop  }
0x1c: {  	[tilespmem:s17], [sflag:$0x2] =	stream.linear.gather [hbm4b:s2+s4], $0x2800, $0x38;
	[tilespmem:$0x8C00] =	vst v63  }
0x1d: {  	_ =	swait.ge [sflag:s18], $0x2800  }
0x1e: {  	[sflag:s18] =	ssyncset.done $0x0  }
0x1f: {  	[sflag:s18] =	ssyncadd.s32 $0xFFFFD800  }
0x20: {  	[spmem:s20], [sflag:s19] =	dma.local [hbm:s6], $0x2800  }
0x21: {  	_ =	swait.ge [sflag:s18], $0x2800  }
0x22: {  	[sflag:s18] =	ssyncset.done $0x0  }
0x23: {  	s24 =	smul.u32 $0x29, s4;
	[sflag:s18] =	ssyncadd.s32 $0xFFFFD800  }
0x24: {  	_ =	swait.ge [sflag:s21], $0x3E80  }
0x25: {  	s25 =	sshrl.u32 s24, $0xA;
	[sflag:s21] =	ssyncset.done $0x0  }
0x26: {  	s26 =	sand.u32 $0x3F, s25;
	s25 =	simm.s32 $0x1;
	[sflag:s21] =	ssyncadd.s32 $0xFFFFC180  }
0x27: {  	s28 =	smul.u32 $0x19, s26;
	s26 =	simm.s32 $0x0;
	[bflag:$0x0] =	sbarrier.arrive $0xFFFF  }
.LBB2_2:
0x28: {  	s29 =	smul.u32 $0x29, s25  }
0x29: {  	s30 =	smov.u32 s26;
	s26 =	smov.u32 s25;
	p0 =	sne.s32 s25, $0x7C  }
.Ltmp0:
0x2a: {  	s25 =	sadd.s32 $0x1, s25;
	s28 =	ssub.s32 s30, s28;
	(pc) =	sbr.rel @p0 .LBB2_2-.Ltmp0, $4  }
0x2b: {  	s24 =	sshll.u32 s24, $0x2;
	s30 =	sshrl.u32 s29, $0xA;
	s28 =	sand.u32 $0xFF, s28  }
0x2c: {  	s24 =	sand.u32 $0x3F000, s24;
	s30 =	sand.u32 $0x3F, s30;
	s31 =	sshll.u32 s28, $0x7  }
0x2d: {  	s28 =	smul.u32 $0x19, s30;
	s30 =	sor.u32 s31, s24;
	s24 =	smov.u32 s29  }
0x2e: {  	[spmem:s3] =	stream.indirect.scatter.add.f32 [tilespmem:s17], [sflag:$0x1], $0x8, s30, s22, $0xb8;
	[tilespmem:$0x8C00] =	vst v63  }
0x2f: {  	s25 =	ssub.s32 s26, s28  }
0x30: {  	s24 =	sshll.u32 s24, $0x2;
	s25 =	sand.u32 $0xFF, s25  }
0x31: {  	s24 =	sand.u32 $0x3F000, s24;
	s25 =	sshll.u32 s25, $0x7  }
0x32: {  	s24 =	sor.u32 s25, s24  }
0x33: {  	[spmem:s3] =	stream.indirect.scatter.add.f32 [tilespmem:s17], [sflag:$0x1], $0x8, s24, s22, $0xb8;
	[tilespmem:$0x8C00] =	vst v63  }
0x34: {  	_ =	swait.ge [sflag:s21], $0x280  }
0x35: {  	s24 =	simm.s32 $0x7C;
	[sflag:s21] =	ssyncset.done $0x0  }
.LBB2_4:
0x36: {  	p0 =	sne.s32 s24, $0x1;
	s24 =	sadd.s32 $0xFFFFFFFF, s24;
	[sflag:s21] =	ssyncadd.s32 $0xFFFFFD80  }
.Ltmp1:
0x37: {  	(pc) =	sbr.rel @p0 .LBB2_4-.Ltmp1, $3  }
0x38: {  	_ =	sdelay $0x1  }
0x39: {  	_ =	swait.ge [sflag:s21], $0x280  }
0x3a: {  	[sflag:s21] =	ssyncset.done $0x0  }
0x3b: {  	s23 =	sadd.s32 $0x1, s23  }
0x3c: {  	[sflag:s21] =	ssyncadd.s32 $0xFFFFFD80;
	p0 =	sne.s32 s23, s8  }
.Ltmp2:
0x3d: {  	[bflag:$0x0] =	sbarrier.arrive $0xFFFF;
	(pc) =	sbr.rel @p0 .LBB2_1-.Ltmp2, $4  }
0x3e: {  	[hbm:s7], [sflag:s19] =	dma.local [spmem:s20], $0x2800  }
0x3f: {  	_ =	swait.ge [sflag:s18], $0x2800  }
0x40: {  	[sflag:s18] =	ssyncset.done $0x0  }
0x41: {  	[sflag:s18] =	ssyncadd.s32 $0xFFFFD800  }
0x42: {  	_ =	sfence.sel $0x180000  }
0x43: {  	[bflag:$0x0] =	sbarrier.arrive $0xFFFF  }
0x44: {  	p0 =	sne.s32 s0, $0x0;
	_ =	strace $0x90000047  }
0x45: {  	s0 =	sadd.s32 @!p0 $0x100000, s1;
	[bflag:$0x2] =	sbarrier.arrive $0xFFFF  }
0x46: {  	[sflag:s0] =	ssyncadd.tile.s32 @!p0 $0x1;
	_ =	shalt  }
.Lfunc_end2:
_tile_overlayer_lowered:
.L_overlay_start_2:
0x47: {  	(tag) =	ssettag $0x2  }
0x48: {  	s0 =	rddreg [dreg:$0x0];
	s2 =	stileid.u32  }
0x49: {  	s1 =	rddreg [dreg:$0x1];
	p0 =	sne.s32 s2, $0x0  }
0x4a: {  	s3 =	rddreg [dreg:$0x2];
	[bflag:$0x3] =	sbarrier.arrive $0xFFFF;
	s2 =	simm.s32 @!p0 $0x1C02  }
0x4b: {  	[timem:s3], [sflag:s2] =	dma.local @!p0 [hbm:s0], s1  }
0x4c: {  	s0 =	simm.s32 @!p0 $0x2  }
0x4d: {  	_ =	swait.ge @!p0 [sflag:s0], s1  }
0x4e: {  	s1 =	ssub.s32 @!p0 $0x0, s1;
	[sflag:s0] =	ssyncset.done @!p0 $0x0  }
0x4f: {  	[sflag:s0] =	ssyncadd.s32 @!p0 s1  }
0x50: {  	[bflag:$0x3] =	sbarrier.arrive $0xFFFF  }
0x51: {  	_ =	shalt  }

</sc_bundles>
